<compile_context>
chip_gen: v7x
topology: tpu7x:2x2x1
jax: 0.10.2.dev20260603
libtpu: 0.0.44.dev20260713+nightly
codegen_flags: <defaults>
</compile_context>

<pallas_src>
import functools

import jax
import jax.numpy as jnp
from jax import lax
from jax.experimental import pallas as pl
from jax.experimental.pallas import tpu as pltpu
from jax.experimental.pallas import tpu_sc as plsc

_NUM_ALT = 4
_D = 256
_B = 1024
_L = 200
_BB = 64
_NBLK = _B // _BB
_H = 4
_VMEM_LIMIT = 112 * 1024 * 1024


def _sc_gather(gamma, beta, alt_idx):
    info = plsc.get_sparse_core_info()
    nc, ns = info.num_cores, info.num_subcores
    nw = nc * ns
    b_per_w = _B // nw

    mesh = plsc.VectorSubcoreMesh(core_axis_name="c", subcore_axis_name="s")

    @functools.partial(
        pl.kernel,
        mesh=mesh,
        out_type=[
            jax.ShapeDtypeStruct((_B, _D), jnp.float32),
            jax.ShapeDtypeStruct((_B, _D), jnp.float32),
        ],
        scratch_types=[
            pltpu.VMEM((b_per_w,), jnp.int32),
            pltpu.VMEM((b_per_w, _D), jnp.float32),
            pltpu.VMEM((b_per_w, _D), jnp.float32),
            pltpu.SemaphoreType.DMA,
            pltpu.SemaphoreType.DMA,
        ],
    )
    def gather_kernel(gamma_hbm, beta_hbm, idx_hbm, g_out, b_out,
                      idx_v, grow_v, brow_v, sem_g, sem_b):
        wid = lax.axis_index("s") * nc + lax.axis_index("c")
        base = wid * b_per_w
        pltpu.sync_copy(idx_hbm.at[pl.ds(base, b_per_w)], idx_v)
        cp_g = pltpu.async_copy(gamma_hbm.at[idx_v], grow_v, sem_g)
        cp_b = pltpu.async_copy(beta_hbm.at[idx_v], brow_v, sem_b)
        cp_g.wait()
        cp_b.wait()
        pltpu.sync_copy(grow_v, g_out.at[pl.ds(base, b_per_w)])
        pltpu.sync_copy(brow_v, b_out.at[pl.ds(base, b_per_w)])

    return gather_kernel(gamma, beta, alt_idx)


def _select_body(idx_ref, gamma_ref, beta_ref, feat_ref, out_ref):
    idx = idx_ref[...]
    bb = idx.shape[0]
    g = jnp.broadcast_to(gamma_ref[0, :][None, :], (bb, _D))
    b = jnp.broadcast_to(beta_ref[0, :][None, :], (bb, _D))
    for k in range(1, _NUM_ALT):
        sel = idx == k
        g = jnp.where(sel, gamma_ref[k, :][None, :], g)
        b = jnp.where(sel, beta_ref[k, :][None, :], b)
    out_ref[...] = feat_ref[...] * g[:, None, :] + b[:, None, :]


def _rows_body(g_ref, b_ref, feat_ref, prev_ref, out_ref):
    del prev_ref
    g = g_ref[...][:, None, :]
    b = b_ref[...][:, None, :]
    out_ref[...] = feat_ref[...] * g + b


def _tc_select_part(feat, alt_idx, gamma, beta):
    idx2 = alt_idx.astype(jnp.int32).reshape(_B, 1)
    return pl.pallas_call(
        _select_body,
        grid=(_H,),
        in_specs=[
            pl.BlockSpec((_BB, 1), lambda i: (i, 0)),
            pl.BlockSpec((_NUM_ALT, _D), lambda i: (0, 0)),
            pl.BlockSpec((_NUM_ALT, _D), lambda i: (0, 0)),
            pl.BlockSpec((_BB, _L, _D), lambda i: (i, 0, 0)),
        ],
        out_specs=pl.BlockSpec((_BB, _L, _D), lambda i: (i, 0, 0)),
        out_shape=jax.ShapeDtypeStruct((_B, _L, _D), jnp.float32),
        compiler_params=pltpu.CompilerParams(
            dimension_semantics=("arbitrary",),
            vmem_limit_bytes=_VMEM_LIMIT,
        ),
    )(idx2, gamma, beta, feat)


def _tc_rows_part(feat, g, b, prev):
    return pl.pallas_call(
        _rows_body,
        grid=(_NBLK - _H,),
        in_specs=[
            pl.BlockSpec((_BB, _D), lambda i: (i + _H, 0)),
            pl.BlockSpec((_BB, _D), lambda i: (i + _H, 0)),
            pl.BlockSpec((_BB, _L, _D), lambda i: (i + _H, 0, 0)),
            pl.BlockSpec(memory_space=pl.ANY),
        ],
        out_specs=pl.BlockSpec((_BB, _L, _D), lambda i: (i + _H, 0, 0)),
        out_shape=jax.ShapeDtypeStruct((_B, _L, _D), jnp.float32),
        input_output_aliases={3: 0},
        compiler_params=pltpu.CompilerParams(
            dimension_semantics=("arbitrary",),
            vmem_limit_bytes=_VMEM_LIMIT,
        ),
    )(g, b, feat, prev)


def kernel(feat, alt_idx, gamma, beta):
    g, b = _sc_gather(gamma, beta, alt_idx.astype(jnp.int32))
    partial = _tc_select_part(feat, alt_idx, gamma, beta)
    return _tc_rows_part(feat, g, b, partial)

# --- scband reference (transcript-rebuilt; emitter-appended) ---
"""Pipeline reference for scband-deep-altitude-fi-lm-48009144435222 (READ-ONLY COPY).

The authoritative reference and input builder live on the scoring server;
editing this copy changes nothing except your own understanding.
"""

import jax, jax.numpy as jnp
import numpy as np

NUM_ALT = 4
FEAT_DIM = 256
B = 1024
L = 200

def setup_inputs(seed: int = 0) -> dict:
    key = jax.random.key(seed)
    k1, k2, k3, k4 = jax.random.split(key, 4)
    feat = jax.random.normal(k1, (B, L, FEAT_DIM), dtype=jnp.float32)
    alt_idx = jax.random.randint(k2, (B,), 0, NUM_ALT, dtype=jnp.int64 if jax.config.read('jax_enable_x64') else jnp.int32)
    # learned parameters (gamma init ones, beta init zeros in the original module;
    # use small random perturbation so the FiLM math is exercised non-trivially)
    gamma = jnp.ones((NUM_ALT, FEAT_DIM), dtype=jnp.float32) + 0.1 * jax.random.normal(k3, (NUM_ALT, FEAT_DIM), dtype=jnp.float32)
    beta = jnp.zeros((NUM_ALT, FEAT_DIM), dtype=jnp.float32) + 0.1 * jax.random.normal(k4, (NUM_ALT, FEAT_DIM), dtype=jnp.float32)
    return {"feat": feat, "alt_idx": alt_idx, "gamma": gamma, "beta": beta}

def reference(feat, alt_idx, gamma, beta):
    # faithful translation of DeepAltitudeFiLM.forward with alt_idx provided:
    # feat * gamma[alt_idx].unsqueeze(1) + beta[alt_idx].unsqueeze(1)
    g = jnp.take(gamma, alt_idx, axis=0)[:, None, :]  # [B, 1, D]
    b = jnp.take(beta, alt_idx, axis=0)[:, None, :]   # [B, 1, D]
    return feat * g + b

if __name__ == "__main__":
    import jax
    _d = setup_inputs()
    print(jax.jit(kernel)(*tuple(_d.values())))

</pallas_src>

<mosaic_0001>
#map = affine_map<(d0, d1) -> (0, 0)>
#map1 = affine_map<(d0, d1) -> (0)>
module attributes {stable_mosaic.version = 14 : i64} {
  func.func @gather_kernel(%arg0: i32, %arg1: i32, %arg2: memref<4x256xf32, #tpu.memory_space<hbm>>, %arg3: memref<4x256xf32, #tpu.memory_space<hbm>>, %arg4: memref<1024xi32, #tpu.memory_space<hbm>>, %arg5: memref<1024x256xf32, #tpu.memory_space<hbm>>, %arg6: memref<1024x256xf32, #tpu.memory_space<hbm>>, %arg7: memref<32xi32, #tpu.memory_space<vmem>>, %arg8: memref<32x256xf32, #tpu.memory_space<vmem>>, %arg9: memref<32x256xf32, #tpu.memory_space<vmem>>, %arg10: memref<!tpu.dma_semaphore, #tpu.memory_space<semaphore_mem>>, %arg11: memref<!tpu.dma_semaphore, #tpu.memory_space<semaphore_mem>>) attributes {dimension_semantics = [#tpu.dimension_semantics<core_parallel>, #tpu.dimension_semantics<subcore_parallel>], iteration_bounds = array<i64: 2, 16>, scalar_prefetch = 0 : i64, scratch_operands = 5 : i64, tpu.core_type = #tpu.core_type<sc_vector_subcore>, window_params = [{transform_indices = #map}, {transform_indices = #map}, {transform_indices = #map1}, {transform_indices = #map}, {transform_indices = #map}]} {
    %mul3A = arith.constant 2 : i32
    %mul3A_0 = arith.muli %arg1, %mul3A : i32
    %add3A = arith.addi %mul3A_0, %arg0 : i32
    %mul3A_1 = arith.constant 32 : i32
    %mul3A_2 = arith.muli %add3A, %mul3A_1 : i32
    "tpu.region"() ({
      %run_scoped3A = tpu.sem_alloc : memref<!tpu.dma_semaphore, #tpu.memory_space<semaphore_mem>>
      %dma_start3A_13 = tpu.memref_slice %arg4[%mul3A_2] : memref<1024xi32, #tpu.memory_space<hbm>> -> memref<32xi32, #tpu.memory_space<hbm>>
      %dma_start3A_14 = tpu.memref_slice %arg4[%mul3A_2] : memref<1024xi32, #tpu.memory_space<hbm>> -> memref<32xi32, #tpu.memory_space<hbm>>
      tpu.enqueue_dma source(%dma_start3A_14 : memref<32xi32, #tpu.memory_space<hbm>>) target(%arg7 : memref<32xi32, #tpu.memory_space<vmem>>) target_semaphore(%run_scoped3A : memref<!tpu.dma_semaphore, #tpu.memory_space<semaphore_mem>>)
      %dma_wait3A_15 = tpu.memref_slice %arg4[%mul3A_2] : memref<1024xi32, #tpu.memory_space<hbm>> -> memref<32xi32, #tpu.memory_space<hbm>>
      %dma_wait3A_16 = tpu.memref_slice %arg4[%mul3A_2] : memref<1024xi32, #tpu.memory_space<hbm>> -> memref<32xi32, #tpu.memory_space<hbm>>
      tpu.wait_dma2 semaphore(%run_scoped3A : memref<!tpu.dma_semaphore, #tpu.memory_space<semaphore_mem>>) src(%dma_wait3A_16 : memref<32xi32, #tpu.memory_space<hbm>>) dst(%arg7 : memref<32xi32, #tpu.memory_space<vmem>>)
      tpu.yield
    }) : () -> ()
    %dma_start3A = arith.constant 0 : i32
    %dma_start3A_3 = arith.constant 0 : i32
    %dma_start3A_4 = tpu.memref_slice %arg2[%dma_start3A, %dma_start3A_3] : memref<4x256xf32, #tpu.memory_space<hbm>> -> memref<4x256xf32, #tpu.memory_space<hbm>>
    tpu.enqueue_indirect_dma source(%dma_start3A_4 : memref<4x256xf32, #tpu.memory_space<hbm>>) target(%arg8 : memref<32x256xf32, #tpu.memory_space<vmem>>) offsets(%arg7 : memref<32xi32, #tpu.memory_space<vmem>>) semaphore(%arg10 : memref<!tpu.dma_semaphore, #tpu.memory_space<semaphore_mem>>)
    %dma_start3A_5 = arith.constant 0 : i32
    %dma_start3A_6 = arith.constant 0 : i32
    %dma_start3A_7 = tpu.memref_slice %arg3[%dma_start3A_5, %dma_start3A_6] : memref<4x256xf32, #tpu.memory_space<hbm>> -> memref<4x256xf32, #tpu.memory_space<hbm>>
    tpu.enqueue_indirect_dma source(%dma_start3A_7 : memref<4x256xf32, #tpu.memory_space<hbm>>) target(%arg9 : memref<32x256xf32, #tpu.memory_space<vmem>>) offsets(%arg7 : memref<32xi32, #tpu.memory_space<vmem>>) semaphore(%arg11 : memref<!tpu.dma_semaphore, #tpu.memory_space<semaphore_mem>>)
    %dma_wait3A = arith.constant 0 : i32
    %dma_wait3A_8 = arith.constant 0 : i32
    %dma_wait3A_9 = tpu.memref_slice %arg2[%dma_wait3A, %dma_wait3A_8] : memref<4x256xf32, #tpu.memory_space<hbm>> -> memref<4x256xf32, #tpu.memory_space<hbm>>
    tpu.wait_indirect_dma semaphore(%arg10 : memref<!tpu.dma_semaphore, #tpu.memory_space<semaphore_mem>>) src(%dma_wait3A_9 : memref<4x256xf32, #tpu.memory_space<hbm>>) dst(%arg8 : memref<32x256xf32, #tpu.memory_space<vmem>>)
    %dma_wait3A_10 = arith.constant 0 : i32
    %dma_wait3A_11 = arith.constant 0 : i32
    %dma_wait3A_12 = tpu.memref_slice %arg3[%dma_wait3A_10, %dma_wait3A_11] : memref<4x256xf32, #tpu.memory_space<hbm>> -> memref<4x256xf32, #tpu.memory_space<hbm>>
    tpu.wait_indirect_dma semaphore(%arg11 : memref<!tpu.dma_semaphore, #tpu.memory_space<semaphore_mem>>) src(%dma_wait3A_12 : memref<4x256xf32, #tpu.memory_space<hbm>>) dst(%arg9 : memref<32x256xf32, #tpu.memory_space<vmem>>)
    "tpu.region"() ({
      %run_scoped3A = tpu.sem_alloc : memref<!tpu.dma_semaphore, #tpu.memory_space<semaphore_mem>>
      %dma_start3A_13 = arith.constant 0 : i32
      %dma_start3A_14 = tpu.memref_slice %arg5[%mul3A_2, %dma_start3A_13] : memref<1024x256xf32, #tpu.memory_space<hbm>> -> memref<32x256xf32, #tpu.memory_space<hbm>>
      %dma_start3A_15 = arith.constant 0 : i32
      %dma_start3A_16 = tpu.memref_slice %arg5[%mul3A_2, %dma_start3A_15] : memref<1024x256xf32, #tpu.memory_space<hbm>> -> memref<32x256xf32, #tpu.memory_space<hbm>>
      tpu.enqueue_dma source(%arg8 : memref<32x256xf32, #tpu.memory_space<vmem>>) target(%dma_start3A_16 : memref<32x256xf32, #tpu.memory_space<hbm>>) target_semaphore(%run_scoped3A : memref<!tpu.dma_semaphore, #tpu.memory_space<semaphore_mem>>)
      %dma_wait3A_17 = arith.constant 0 : i32
      %dma_wait3A_18 = tpu.memref_slice %arg5[%mul3A_2, %dma_wait3A_17] : memref<1024x256xf32, #tpu.memory_space<hbm>> -> memref<32x256xf32, #tpu.memory_space<hbm>>
      %dma_wait3A_19 = arith.constant 0 : i32
      %dma_wait3A_20 = tpu.memref_slice %arg5[%mul3A_2, %dma_wait3A_19] : memref<1024x256xf32, #tpu.memory_space<hbm>> -> memref<32x256xf32, #tpu.memory_space<hbm>>
      tpu.wait_dma2 semaphore(%run_scoped3A : memref<!tpu.dma_semaphore, #tpu.memory_space<semaphore_mem>>) src(%arg8 : memref<32x256xf32, #tpu.memory_space<vmem>>) dst(%dma_wait3A_20 : memref<32x256xf32, #tpu.memory_space<hbm>>)
      tpu.yield
    }) : () -> ()
    "tpu.region"() ({
      %run_scoped3A = tpu.sem_alloc : memref<!tpu.dma_semaphore, #tpu.memory_space<semaphore_mem>>
      %dma_start3A_13 = arith.constant 0 : i32
      %dma_start3A_14 = tpu.memref_slice %arg6[%mul3A_2, %dma_start3A_13] : memref<1024x256xf32, #tpu.memory_space<hbm>> -> memref<32x256xf32, #tpu.memory_space<hbm>>
      %dma_start3A_15 = arith.constant 0 : i32
      %dma_start3A_16 = tpu.memref_slice %arg6[%mul3A_2, %dma_start3A_15] : memref<1024x256xf32, #tpu.memory_space<hbm>> -> memref<32x256xf32, #tpu.memory_space<hbm>>
      tpu.enqueue_dma source(%arg9 : memref<32x256xf32, #tpu.memory_space<vmem>>) target(%dma_start3A_16 : memref<32x256xf32, #tpu.memory_space<hbm>>) target_semaphore(%run_scoped3A : memref<!tpu.dma_semaphore, #tpu.memory_space<semaphore_mem>>)
      %dma_wait3A_17 = arith.constant 0 : i32
      %dma_wait3A_18 = tpu.memref_slice %arg6[%mul3A_2, %dma_wait3A_17] : memref<1024x256xf32, #tpu.memory_space<hbm>> -> memref<32x256xf32, #tpu.memory_space<hbm>>
      %dma_wait3A_19 = arith.constant 0 : i32
      %dma_wait3A_20 = tpu.memref_slice %arg6[%mul3A_2, %dma_wait3A_19] : memref<1024x256xf32, #tpu.memory_space<hbm>> -> memref<32x256xf32, #tpu.memory_space<hbm>>
      tpu.wait_dma2 semaphore(%run_scoped3A : memref<!tpu.dma_semaphore, #tpu.memory_space<semaphore_mem>>) src(%arg9 : memref<32x256xf32, #tpu.memory_space<vmem>>) dst(%dma_wait3A_20 : memref<32x256xf32, #tpu.memory_space<hbm>>)
      tpu.yield
    }) : () -> ()
    return
  }
}

module attributes {stable_mosaic.version = 14 : i64} {
  func.func @_select_body(%arg0: i32, %arg1: memref<64x1xi32, #tpu.memory_space<vmem>>, %arg2: memref<4x256xf32, #tpu.memory_space<vmem>>, %arg3: memref<4x256xf32, #tpu.memory_space<vmem>>, %arg4: memref<64x200x256xf32, #tpu.memory_space<vmem>>, %arg5: memref<64x200x256xf32, #tpu.memory_space<vmem>>) attributes {dimension_semantics = [#tpu.dimension_semantics<arbitrary>], iteration_bounds = array<i64: 4>, scalar_prefetch = 0 : i64, scratch_operands = 0 : i64, tpu.core_type = #tpu.core_type<tc>, window_params = [{transform_indices = @transform_0, window_bounds = array<i64: 64, 1>}, {pipeline_mode = #tpu.pipeline_mode<synchronous>, transform_indices = @transform_1, window_bounds = array<i64: 4, 256>}, {pipeline_mode = #tpu.pipeline_mode<synchronous>, transform_indices = @transform_2, window_bounds = array<i64: 4, 256>}, {transform_indices = @transform_3, window_bounds = array<i64: 64, 200, 256>}, {transform_indices = @transform_4, window_bounds = array<i64: 64, 200, 256>}]} {
    %get3A = arith.constant 0 : index
    %get3A_0 = arith.constant 0 : index
    %get3A_1 = vector.load %arg1[%get3A, %get3A_0] : memref<64x1xi32, #tpu.memory_space<vmem>>, vector<64x1xi32>
    %get3A_2 = arith.constant 0 : index
    %get3A_3 = arith.constant 0 : index
    %get3A_4 = vector.load %arg2[%get3A_2, %get3A_3] : memref<4x256xf32, #tpu.memory_space<vmem>>, vector<1x256xf32>
    %get3A_5 = vector.shape_cast %get3A_4 : vector<1x256xf32> to vector<256xf32>
    %broadcast_in_dim3A = vector.shape_cast %get3A_5 : vector<256xf32> to vector<1x256xf32>
    %broadcast_in_dim3A_6 = vector.shape_cast %broadcast_in_dim3A : vector<1x256xf32> to vector<1x256xf32>
    %broadcast_in_dim3A_7 = vector.broadcast %broadcast_in_dim3A_6 : vector<1x256xf32> to vector<64x256xf32>
    %get3A_8 = arith.constant 0 : index
    %get3A_9 = arith.constant 0 : index
    %get3A_10 = vector.load %arg3[%get3A_8, %get3A_9] : memref<4x256xf32, #tpu.memory_space<vmem>>, vector<1x256xf32>
    %get3A_11 = vector.shape_cast %get3A_10 : vector<1x256xf32> to vector<256xf32>
    %broadcast_in_dim3A_12 = vector.shape_cast %get3A_11 : vector<256xf32> to vector<1x256xf32>
    %broadcast_in_dim3A_13 = vector.shape_cast %broadcast_in_dim3A_12 : vector<1x256xf32> to vector<1x256xf32>
    %broadcast_in_dim3A_14 = vector.broadcast %broadcast_in_dim3A_13 : vector<1x256xf32> to vector<64x256xf32>
    %eq3A = arith.constant 1 : i32
    %eq3A_15 = vector.broadcast %eq3A : i32 to vector<64x1xi32>
    %eq3A_16 = arith.cmpi eq, %get3A_1, %eq3A_15 : vector<64x1xi32>
    %get3A_17 = arith.constant 1 : index
    %get3A_18 = arith.constant 0 : index
    %get3A_19 = vector.load %arg2[%get3A_17, %get3A_18] : memref<4x256xf32, #tpu.memory_space<vmem>>, vector<1x256xf32>
    %get3A_20 = vector.shape_cast %get3A_19 : vector<1x256xf32> to vector<256xf32>
    %broadcast_in_dim3A_21 = vector.shape_cast %get3A_20 : vector<256xf32> to vector<1x256xf32>
    %broadcast_in_dim3A_22 = vector.shape_cast %eq3A_16 : vector<64x1xi1> to vector<64x1xi1>
    %broadcast_in_dim3A_23 = vector.broadcast %broadcast_in_dim3A_22 : vector<64x1xi1> to vector<64x256xi1>
    %broadcast_in_dim3A_24 = vector.shape_cast %broadcast_in_dim3A_21 : vector<1x256xf32> to vector<1x256xf32>
    %broadcast_in_dim3A_25 = vector.broadcast %broadcast_in_dim3A_24 : vector<1x256xf32> to vector<64x256xf32>
    %select_n3A = arith.select %broadcast_in_dim3A_23, %broadcast_in_dim3A_25, %broadcast_in_dim3A_7 : vector<64x256xi1>, vector<64x256xf32>
    %get3A_26 = arith.constant 1 : index
    %get3A_27 = arith.constant 0 : index
    %get3A_28 = vector.load %arg3[%get3A_26, %get3A_27] : memref<4x256xf32, #tpu.memory_space<vmem>>, vector<1x256xf32>
    %get3A_29 = vector.shape_cast %get3A_28 : vector<1x256xf32> to vector<256xf32>
    %broadcast_in_dim3A_30 = vector.shape_cast %get3A_29 : vector<256xf32> to vector<1x256xf32>
    %broadcast_in_dim3A_31 = vector.shape_cast %eq3A_16 : vector<64x1xi1> to vector<64x1xi1>
    %broadcast_in_dim3A_32 = vector.broadcast %broadcast_in_dim3A_31 : vector<64x1xi1> to vector<64x256xi1>
    %broadcast_in_dim3A_33 = vector.shape_cast %broadcast_in_dim3A_30 : vector<1x256xf32> to vector<1x256xf32>
    %broadcast_in_dim3A_34 = vector.broadcast %broadcast_in_dim3A_33 : vector<1x256xf32> to vector<64x256xf32>
    %select_n3A_35 = arith.select %broadcast_in_dim3A_32, %broadcast_in_dim3A_34, %broadcast_in_dim3A_14 : vector<64x256xi1>, vector<64x256xf32>
    %eq3A_36 = arith.constant 2 : i32
    %eq3A_37 = vector.broadcast %eq3A_36 : i32 to vector<64x1xi32>
    %eq3A_38 = arith.cmpi eq, %get3A_1, %eq3A_37 : vector<64x1xi32>
    %get3A_39 = arith.constant 2 : index
    %get3A_40 = arith.constant 0 : index
    %get3A_41 = vector.load %arg2[%get3A_39, %get3A_40] : memref<4x256xf32, #tpu.memory_space<vmem>>, vector<1x256xf32>
    %get3A_42 = vector.shape_cast %get3A_41 : vector<1x256xf32> to vector<256xf32>
    %broadcast_in_dim3A_43 = vector.shape_cast %get3A_42 : vector<256xf32> to vector<1x256xf32>
    %broadcast_in_dim3A_44 = vector.shape_cast %eq3A_38 : vector<64x1xi1> to vector<64x1xi1>
    %broadcast_in_dim3A_45 = vector.broadcast %broadcast_in_dim3A_44 : vector<64x1xi1> to vector<64x256xi1>
    %broadcast_in_dim3A_46 = vector.shape_cast %broadcast_in_dim3A_43 : vector<1x256xf32> to vector<1x256xf32>
    %broadcast_in_dim3A_47 = vector.broadcast %broadcast_in_dim3A_46 : vector<1x256xf32> to vector<64x256xf32>
    %select_n3A_48 = arith.select %broadcast_in_dim3A_45, %broadcast_in_dim3A_47, %select_n3A : vector<64x256xi1>, vector<64x256xf32>
    %get3A_49 = arith.constant 2 : index
    %get3A_50 = arith.constant 0 : index
    %get3A_51 = vector.load %arg3[%get3A_49, %get3A_50] : memref<4x256xf32, #tpu.memory_space<vmem>>, vector<1x256xf32>
    %get3A_52 = vector.shape_cast %get3A_51 : vector<1x256xf32> to vector<256xf32>
    %broadcast_in_dim3A_53 = vector.shape_cast %get3A_52 : vector<256xf32> to vector<1x256xf32>
    %broadcast_in_dim3A_54 = vector.shape_cast %eq3A_38 : vector<64x1xi1> to vector<64x1xi1>
    %broadcast_in_dim3A_55 = vector.broadcast %broadcast_in_dim3A_54 : vector<64x1xi1> to vector<64x256xi1>
    %broadcast_in_dim3A_56 = vector.shape_cast %broadcast_in_dim3A_53 : vector<1x256xf32> to vector<1x256xf32>
    %broadcast_in_dim3A_57 = vector.broadcast %broadcast_in_dim3A_56 : vector<1x256xf32> to vector<64x256xf32>
    %select_n3A_58 = arith.select %broadcast_in_dim3A_55, %broadcast_in_dim3A_57, %select_n3A_35 : vector<64x256xi1>, vector<64x256xf32>
    %eq3A_59 = arith.constant 3 : i32
    %eq3A_60 = vector.broadcast %eq3A_59 : i32 to vector<64x1xi32>
    %eq3A_61 = arith.cmpi eq, %get3A_1, %eq3A_60 : vector<64x1xi32>
    %get3A_62 = arith.constant 3 : index
    %get3A_63 = arith.constant 0 : index
    %get3A_64 = vector.load %arg2[%get3A_62, %get3A_63] : memref<4x256xf32, #tpu.memory_space<vmem>>, vector<1x256xf32>
    %get3A_65 = vector.shape_cast %get3A_64 : vector<1x256xf32> to vector<256xf32>
    %broadcast_in_dim3A_66 = vector.shape_cast %get3A_65 : vector<256xf32> to vector<1x256xf32>
    %broadcast_in_dim3A_67 = vector.shape_cast %eq3A_61 : vector<64x1xi1> to vector<64x1xi1>
    %broadcast_in_dim3A_68 = vector.broadcast %broadcast_in_dim3A_67 : vector<64x1xi1> to vector<64x256xi1>
    %broadcast_in_dim3A_69 = vector.shape_cast %broadcast_in_dim3A_66 : vector<1x256xf32> to vector<1x256xf32>
    %broadcast_in_dim3A_70 = vector.broadcast %broadcast_in_dim3A_69 : vector<1x256xf32> to vector<64x256xf32>
    %select_n3A_71 = arith.select %broadcast_in_dim3A_68, %broadcast_in_dim3A_70, %select_n3A_48 : vector<64x256xi1>, vector<64x256xf32>
    %get3A_72 = arith.constant 3 : index
    %get3A_73 = arith.constant 0 : index
    %get3A_74 = vector.load %arg3[%get3A_72, %get3A_73] : memref<4x256xf32, #tpu.memory_space<vmem>>, vector<1x256xf32>
    %get3A_75 = vector.shape_cast %get3A_74 : vector<1x256xf32> to vector<256xf32>
    %broadcast_in_dim3A_76 = vector.shape_cast %get3A_75 : vector<256xf32> to vector<1x256xf32>
    %broadcast_in_dim3A_77 = vector.shape_cast %eq3A_61 : vector<64x1xi1> to vector<64x1xi1>
    %broadcast_in_dim3A_78 = vector.broadcast %broadcast_in_dim3A_77 : vector<64x1xi1> to vector<64x256xi1>
    %broadcast_in_dim3A_79 = vector.shape_cast %broadcast_in_dim3A_76 : vector<1x256xf32> to vector<1x256xf32>
    %broadcast_in_dim3A_80 = vector.broadcast %broadcast_in_dim3A_79 : vector<1x256xf32> to vector<64x256xf32>
    %select_n3A_81 = arith.select %broadcast_in_dim3A_78, %broadcast_in_dim3A_80, %select_n3A_58 : vector<64x256xi1>, vector<64x256xf32>
    %get3A_82 = arith.constant 0 : index
    %get3A_83 = arith.constant 0 : index
    %get3A_84 = arith.constant 0 : index
    %get3A_85 = vector.load %arg4[%get3A_82, %get3A_83, %get3A_84] : memref<64x200x256xf32, #tpu.memory_space<vmem>>, vector<64x200x256xf32>
    %broadcast_in_dim3A_86 = vector.shape_cast %select_n3A_71 : vector<64x256xf32> to vector<64x1x256xf32>
    %mul3A = vector.broadcast %broadcast_in_dim3A_86 : vector<64x1x256xf32> to vector<64x200x256xf32>
    %mul3A_87 = arith.mulf %get3A_85, %mul3A : vector<64x200x256xf32>
    %broadcast_in_dim3A_88 = vector.shape_cast %select_n3A_81 : vector<64x256xf32> to vector<64x1x256xf32>
    %add3A = vector.broadcast %broadcast_in_dim3A_88 : vector<64x1x256xf32> to vector<64x200x256xf32>
    %add3A_89 = arith.addf %mul3A_87, %add3A : vector<64x200x256xf32>
    %swap3A = arith.constant 0 : index
    %swap3A_90 = arith.constant 0 : index
    %swap3A_91 = arith.constant 0 : index
    %swap3A_92 = vector.load %arg5[%swap3A, %swap3A_90, %swap3A_91] : memref<64x200x256xf32, #tpu.memory_space<vmem>>, vector<64x200x256xf32>
    tpu.vector_store %arg5[%swap3A, %swap3A_90, %swap3A_91], %add3A_89 {strides = array<i32>} : memref<64x200x256xf32, #tpu.memory_space<vmem>>, vector<64x200x256xf32>,
    return
  }
  func.func @transform_0(%arg0: i32) -> (i32, i32) {
    %c0_i32 = arith.constant 0 : i32
    %c0_i32_0 = arith.constant 0 : i32
    return %arg0, %c0_i32 : i32, i32
  }
  func.func @transform_1(%arg0: i32) -> (i32, i32) {
    %c0_i32 = arith.constant 0 : i32
    %c0_i32_0 = arith.constant 0 : i32
    %c0_i32_1 = arith.constant 0 : i32
    return %c0_i32, %c0_i32_0 : i32, i32
  }
  func.func @transform_2(%arg0: i32) -> (i32, i32) {
    %c0_i32 = arith.constant 0 : i32
    %c0_i32_0 = arith.constant 0 : i32
    %c0_i32_1 = arith.constant 0 : i32
    return %c0_i32, %c0_i32_0 : i32, i32
  }
  func.func @transform_3(%arg0: i32) -> (i32, i32, i32) {
    %c0_i32 = arith.constant 0 : i32
    %c0_i32_0 = arith.constant 0 : i32
    %c0_i32_1 = arith.constant 0 : i32
    return %arg0, %c0_i32, %c0_i32_0 : i32, i32, i32
  }
  func.func @transform_4(%arg0: i32) -> (i32, i32, i32) {
    %c0_i32 = arith.constant 0 : i32
    %c0_i32_0 = arith.constant 0 : i32
    %c0_i32_1 = arith.constant 0 : i32
    return %arg0, %c0_i32, %c0_i32_0 : i32, i32, i32
  }
}

module attributes {stable_mosaic.version = 14 : i64} {
  func.func @_rows_body(%arg0: i32, %arg1: memref<64x256xf32, #tpu.memory_space<vmem>>, %arg2: memref<64x256xf32, #tpu.memory_space<vmem>>, %arg3: memref<64x200x256xf32, #tpu.memory_space<vmem>>, %arg4: memref<1024x200x256xf32, #tpu.memory_space<any>>, %arg5: memref<64x200x256xf32, #tpu.memory_space<vmem>>) attributes {dimension_semantics = [#tpu.dimension_semantics<arbitrary>], iteration_bounds = array<i64: 12>, scalar_prefetch = 0 : i64, scratch_operands = 0 : i64, tpu.core_type = #tpu.core_type<tc>, window_params = [{transform_indices = @transform_0, window_bounds = array<i64: 64, 256>}, {transform_indices = @transform_1, window_bounds = array<i64: 64, 256>}, {transform_indices = @transform_2, window_bounds = array<i64: 64, 200, 256>}, {}, {transform_indices = @transform_4, window_bounds = array<i64: 64, 200, 256>}]} {
    %get3A = arith.constant 0 : index
    %get3A_0 = arith.constant 0 : index
    %get3A_1 = vector.load %arg1[%get3A, %get3A_0] : memref<64x256xf32, #tpu.memory_space<vmem>>, vector<64x256xf32>
    %broadcast_in_dim3A = vector.shape_cast %get3A_1 : vector<64x256xf32> to vector<64x1x256xf32>
    %get3A_2 = arith.constant 0 : index
    %get3A_3 = arith.constant 0 : index
    %get3A_4 = vector.load %arg2[%get3A_2, %get3A_3] : memref<64x256xf32, #tpu.memory_space<vmem>>, vector<64x256xf32>
    %broadcast_in_dim3A_5 = vector.shape_cast %get3A_4 : vector<64x256xf32> to vector<64x1x256xf32>
    %get3A_6 = arith.constant 0 : index
    %get3A_7 = arith.constant 0 : index
    %get3A_8 = arith.constant 0 : index
    %get3A_9 = vector.load %arg3[%get3A_6, %get3A_7, %get3A_8] : memref<64x200x256xf32, #tpu.memory_space<vmem>>, vector<64x200x256xf32>
    %mul3A = vector.broadcast %broadcast_in_dim3A : vector<64x1x256xf32> to vector<64x200x256xf32>
    %mul3A_10 = arith.mulf %get3A_9, %mul3A : vector<64x200x256xf32>
    %add3A = vector.broadcast %broadcast_in_dim3A_5 : vector<64x1x256xf32> to vector<64x200x256xf32>
    %add3A_11 = arith.addf %mul3A_10, %add3A : vector<64x200x256xf32>
    %swap3A = arith.constant 0 : index
    %swap3A_12 = arith.constant 0 : index
    %swap3A_13 = arith.constant 0 : index
    %swap3A_14 = vector.load %arg5[%swap3A, %swap3A_12, %swap3A_13] : memref<64x200x256xf32, #tpu.memory_space<vmem>>, vector<64x200x256xf32>
    tpu.vector_store %arg5[%swap3A, %swap3A_12, %swap3A_13], %add3A_11 {strides = array<i32>} : memref<64x200x256xf32, #tpu.memory_space<vmem>>, vector<64x200x256xf32>,
    return
  }
  func.func @transform_0(%arg0: i32) -> (i32, i32) {
    %add3A = arith.constant 4 : i32
    %add3A_0 = arith.addi %arg0, %add3A : i32
    %c0_i32 = arith.constant 0 : i32
    %c0_i32_1 = arith.constant 0 : i32
    return %add3A_0, %c0_i32 : i32, i32
  }
  func.func @transform_1(%arg0: i32) -> (i32, i32) {
    %add3A = arith.constant 4 : i32
    %add3A_0 = arith.addi %arg0, %add3A : i32
    %c0_i32 = arith.constant 0 : i32
    %c0_i32_1 = arith.constant 0 : i32
    return %add3A_0, %c0_i32 : i32, i32
  }
  func.func @transform_2(%arg0: i32) -> (i32, i32, i32) {
    %add3A = arith.constant 4 : i32
    %add3A_0 = arith.addi %arg0, %add3A : i32
    %c0_i32 = arith.constant 0 : i32
    %c0_i32_1 = arith.constant 0 : i32
    %c0_i32_2 = arith.constant 0 : i32
    return %add3A_0, %c0_i32, %c0_i32_1 : i32, i32, i32
  }
  func.func @transform_4(%arg0: i32) -> (i32, i32, i32) {
    %add3A = arith.constant 4 : i32
    %add3A_0 = arith.addi %arg0, %add3A : i32
    %c0_i32 = arith.constant 0 : i32
    %c0_i32_1 = arith.constant 0 : i32
    %c0_i32_2 = arith.constant 0 : i32
    return %add3A_0, %c0_i32, %c0_i32_1 : i32, i32, i32
  }
}

</mosaic_0001>

<sc_bundles>
// kernel: kernel.5.cloned.1.call-start
scs
__scs_entry_jumppad:
0x0: {  	(pc) =	sbr.rel $0x88, $3  }
0x1: {  	(tag) =	ssettag $0x0;
	lr =	simm.s32 $0x1  }
0x2: {  	[smem:$0x3F9D] =	sst lr;
	_ =	strace $0xD0000000  }
0x3: {  	_ = 	snop  }
0x4: {  	_ = 	snop  }
0x5: {  	_ = 	snop  }
0x6: {  	_ = 	snop  }
0x7: {  	_ = 	snop  }
__scs_overlays_trampoline_lowered:
0x8: {  	[smem:$0x3FAC] =	sst s0  }
0x9: {  	[smem:$0x3FAD] =	sst s1  }
0xa: {  	[smem:$0x3FAE] =	sst s2  }
0xb: {  	[smem:$0x3FAF] =	sst s3  }
0xc: {  	[smem:$0x3FB0] =	sst s4  }
0xd: {  	[smem:$0x3FB1] =	sst s5  }
0xe: {  	[smem:$0x3FB2] =	sst s6  }
0xf: {  	[smem:$0x3FB3] =	sst s7  }
0x10: {  	[smem:$0x3FB4] =	sst s8  }
0x11: {  	[smem:$0x3FB5] =	sst s9;
	s0 =	simm.s32 @!p0 $0x0  }
0x12: {  	s1 =	sld [smem:$0x3F9B];
	s0 =	simm.s32 @p0 $0x1  }
0x13: {  	[smem:$0x3FB6] =	sst s0;
	s0 =	simm.s32 @!p1 $0x0  }
0x14: {  	s2 =	sld [smem:$0x3F9A];
	s0 =	simm.s32 @p1 $0x1  }
0x15: {  	[smem:$0x3FB7] =	sst s0;
	s0 =	simm.s32 @!p2 $0x0  }
0x16: {  	s3 =	sld [smem:$0x3FDB];
	s0 =	simm.s32 @p2 $0x1  }
0x17: {  	s4 =	simm.s32 $0x1BF5;
	[smem:$0x3FB9] =	sst s0  }
0x18: {  	s0 =	sld [smem:$0x3F9C];
	_ =	swait.ge [sflag:s4], $0x0  }
0x19: {  	s7 =	sld [smem:$0x3F9D]  }
0x1a: {  	s8 =	sadd.s32 $0xFFFFE003, lr  }
0x1b: {  	s9 =	sadd.s32 $0xFFFFFEF7, lr;
	s5 =	simm.s32 $0xFFFFFFFF;
	p2 =	slt.u32 s8, $0xFFFFF086  }
0x1c: {  	p1 =	slt.u32 s9, $0xF7A;
	s5 =	simm.s32 @!p2 $0x0  }
0x1d: {  	s5 =	simm.s32 @p1 $0x1;
	p0 =	seq.s32 s7, s2  }
0x1e: {  	s7 =	smul.u32 @!p0 $0xF7A, s2;
	p2 =	seq.s32 @!p0 s5, $0x0  }
0x1f: {  	s9 =	smul.u32 $0xF7A, s1;
	s8 =	simm.s32 @!p0 $0x1BF5;
	p2 =	por !p2, p0  }
0x20: {  	[sflag:s8] =	ssyncset.s32 @!p0 $0xFFFFF086;
	s6 =	sadd.s32 @!p0 s3, s7;
	s7 =	simm.s32 @!p0 $0x108  }
0x21: {  	s3 =	sadd.s32 s3, s9;
	s6 =	sadd.s32 @!p0 $0x88, s6;
	s7 =	simm.s32 @p2 $0x1082  }
0x22: {  	[simem:s7], [sflag:s8] =	dma.local @!p0 [hbm:s6], $0xF7A  }
0x23: {  	s9 =	sor.u32 $0xD0000000, s2;
	s6 =	simm.s32 $0x108;
	_ =	swait.ge @!p0 [sflag:s8], $0x0  }
0x24: {  	s3 =	sadd.s32 $0x88, s3;
	s6 =	simm.s32 @!p1 $0x1082;
	[sflag:s4] =	ssyncset.s32 $0xFFFFF086  }
0x25: {  	[simem:s6], [sflag:s4] =	dma.local [hbm:s3], $0xF7A  }
0x26: {  	[smem:$0x3F9D] =	sst s1;
	(tag) =	ssettag s2;
	_ =	strace s9  }
0x27: {  	s1 =	sld [smem:$0x3FAD]  }
0x28: {  	s2 =	sld [smem:$0x3FAE]  }
0x29: {  	s4 =	sld [smem:$0x3FB0]  }
0x2a: {  	p0 =	seq.s32 s5, $0x0;
	s5 =	sld [smem:$0x3FB1]  }
0x2b: {  	s6 =	sld [smem:$0x3FB2]  }
0x2c: {  	s7 =	sld [smem:$0x3FB3]  }
0x2d: {  	s3 =	simm.s32 $0x108;
	s8 =	sld [smem:$0x3FB4]  }
0x2e: {  	s3 =	simm.s32 @!p0 $0x1082;
	s9 =	sld [smem:$0x3FB5]  }
0x2f: {  	lr =	sadd.s32 s0, s3;
	s0 =	sld [smem:$0x3FAC]  }
0x30: {  	s3 =	sld [smem:$0x3FAF]  }
0x31: {  	[smem:$0x3FB8] =	sst s10  }
0x32: {  	s10 =	sld [smem:$0x3FB6];
	_ =	sdelay $0x3  }
0x33: {  	p0 =	seq.s32 s10, $0x1;
	s10 =	sld [smem:$0x3FB8];
	_ =	sdelay $0x3  }
0x34: {  	[smem:$0x3FB8] =	sst s10  }
0x35: {  	s10 =	sld [smem:$0x3FB7];
	_ =	sdelay $0x3  }
0x36: {  	p1 =	seq.s32 s10, $0x1;
	s10 =	sld [smem:$0x3FB8];
	_ =	sdelay $0x3  }
0x37: {  	[smem:$0x3FB8] =	sst s10  }
0x38: {  	s10 =	sld [smem:$0x3FB9]  }
0x39: {  	_ = 	snop;
	(pc) =	sbr.ind lr, $3  }
0x3a: {  	_ = 	snop  }
0x3b: {  	_ = 	snop  }
0x3c: {  	p2 =	seq.s32 s10, $0x1;
	s10 =	sld [smem:$0x3FB8]  }
0x3d: {  	_ =	shalt  }
0x3e: {  	_ =	shalt  }
0x3f: {  	_ =	shalt  }
0x40: {  	_ =	shalt  }
0x41: {  	_ =	shalt  }
0x42: {  	_ =	shalt  }
0x43: {  	_ =	shalt  }
0x44: {  	_ =	shalt  }
0x45: {  	_ =	shalt  }
0x46: {  	_ =	shalt  }
0x47: {  	_ =	shalt  }
0x48: {  	_ =	shalt  }
0x49: {  	_ =	shalt  }
0x4a: {  	_ =	shalt  }
0x4b: {  	_ =	shalt  }
0x4c: {  	_ =	shalt  }
0x4d: {  	_ =	shalt  }
0x4e: {  	_ =	shalt  }
0x4f: {  	_ =	shalt  }
0x50: {  	_ =	shalt  }
0x51: {  	_ =	shalt  }
0x52: {  	_ =	shalt  }
0x53: {  	_ =	shalt  }
0x54: {  	_ =	shalt  }
0x55: {  	_ =	shalt  }
0x56: {  	_ =	shalt  }
0x57: {  	_ =	shalt  }
0x58: {  	_ =	shalt  }
0x59: {  	_ =	shalt  }
0x5a: {  	_ =	shalt  }
0x5b: {  	_ =	shalt  }
0x5c: {  	_ =	shalt  }
0x5d: {  	_ =	shalt  }
0x5e: {  	_ =	shalt  }
0x5f: {  	_ =	shalt  }
0x60: {  	_ =	shalt  }
0x61: {  	_ =	shalt  }
0x62: {  	_ =	shalt  }
0x63: {  	_ =	shalt  }
0x64: {  	_ =	shalt  }
0x65: {  	_ =	shalt  }
0x66: {  	_ =	shalt  }
0x67: {  	_ =	shalt  }
0x68: {  	_ =	shalt  }
0x69: {  	_ =	shalt  }
0x6a: {  	_ =	shalt  }
0x6b: {  	_ =	shalt  }
0x6c: {  	_ =	shalt  }
0x6d: {  	_ =	shalt  }
0x6e: {  	_ =	shalt  }
0x6f: {  	_ =	shalt  }
0x70: {  	_ =	shalt  }
0x71: {  	_ =	shalt  }
0x72: {  	_ =	shalt  }
0x73: {  	_ =	shalt  }
0x74: {  	_ =	shalt  }
0x75: {  	_ =	shalt  }
0x76: {  	_ =	shalt  }
0x77: {  	_ =	shalt  }
0x78: {  	_ =	shalt  }
0x79: {  	_ =	shalt  }
0x7a: {  	_ =	shalt  }
0x7b: {  	_ =	shalt  }
0x7c: {  	_ =	shalt  }
0x7d: {  	_ =	shalt  }
0x7e: {  	_ =	shalt  }
0x7f: {  	_ =	shalt  }
0x80: {  	_ =	shalt  }
0x81: {  	_ =	shalt  }
0x82: {  	_ =	shalt  }
0x83: {  	_ =	shalt  }
0x84: {  	_ =	shalt  }
0x85: {  	_ =	shalt  }
0x86: {  	_ =	shalt  }
0x87: {  	_ =	shalt  }
.Lfunc_end0:
.L_simem_size_0:
called_computation_lowered:
.L_overlay_start_0:
0x88: {  	s2 =	sld [smem:$0x3FD9]  }
0x89: {  	s3 =	sld [smem:$0x3FFE];
	_ =	sdelay $0x1  }
0x8a: {  	s1 =	srdreg.scid  }
0x8b: {  	s0 =	sand.u32 $0x1, s1  }
0x8c: {  	s17 =	sshll.u32 s0, $0xA;
	s2 =	sadd.s32 s3, s2  }
0x8d: {  	s2 =	sadd.s32 s2, s17  }
0x8e: {  	[smem:$0x3FC4] =	sst s2  }
0x8f: {  	_ = 	snop  }
0x90: {  	s2 =	sld [smem:$0x3FC8]  }
0x91: {  	s18 =	sld [smem:$0x3FC7]  }
0x92: {  	s4 =	sld [smem:$0x3FC6];
	(tm) =	ssettm $0x1  }
0x93: {  	s5 =	sld [smem:$0x3FFB];
	_ =	sdelay $0x3  }
0x94: {  	_ =	strace s5  }
0x95: {  	s5 =	sld [smem:$0x3FFC];
	_ =	sdelay $0x3  }
0x96: {  	_ =	strace s5  }
0x97: {  	s5 =	sld [smem:$0x3FFD];
	_ =	sdelay $0x3  }
0x98: {  	_ =	strace s5  }
0x99: {  	_ =	strace $0x8FFFFFFF  }
0x9a: {  	s19 =	sld [smem:$0x3FDB];
	_ =	sdelay $0x1  }
0x9b: {  	s6 =	simm.s32 $_scs_section_size  }
0x9c: {  	s7 =	simm.s32 $_size__tile_overlayer_lowered;
	s8 =	simm.s32 $_tile_overlayer_lowered  }
0x9d: {  	s22 =	simm.s32 $0x1BFF;
	s21 =	sshll.u32 s8, $0x1;
	s5 =	sadd.s32 s6, s19  }
0x9e: {  	s9 =	simm.s32 $0x0;
	s20 =	sshll.u32 s7, $0x1;
	s7 =	sadd.s32 s21, s5  }
0x9f: {  	[timem:s9], [sflag:s22] =	dma.local [hbm:s7], s20  }
0xa0: {  	_ =	swait.ge [sflag:s22], s20  }
0xa1: {  	s6 =	ssub.s32 $0x0, s20;
	[sflag:s22] =	ssyncset.done $0x0  }
0xa2: {  	[sflag:s22] =	ssyncadd.s32 s6;
	_ =	sdelay $0x1  }
0xa3: {  	s23 =	simm.s32 $0x1B8B  }
0xa4: {  	_ =	swait.ge [sflag:s23], $0x1  }
0xa5: {  	[sflag:s23] =	ssyncset.done $0x0  }
0xa6: {  	s25 =	simm.s32 $0x1B8E;
	s24 =	sld [smem:$0x3FFE];
	[sflag:s23] =	ssyncadd.s32 $0xFFFFFFFF  }
0xa7: {  	s26 =	simm.s32 $execute0_lowered;
	[smem:$0x3FD2] =	sst s25  }
0xa8: {  	s7 =	sshll.u32 s26, $0x1;
	_ =	strace $0x80000046;
	[dreg:$0x1] =	wrdreg $0xFFFFFFFF  }
0xa9: {  	s28 =	simm.s32 $_size_execute0_lowered;
	s5 =	sadd.s32 s5, s7;
	[dreg:$0x0] =	wrdreg $0x0  }
0xaa: {  	s7 =	sshll.u32 s28, $0x1;
	[dreg:$0x2] =	wrdreg s5  }
0xab: {  	[dreg:$0x3] =	wrdreg s7  }
0xac: {  	[dreg:$0x4] =	wrdreg $0xC0  }
0xad: {  	_ =	task [dreg:s9], $0x5FFFF  }
0xae: {  	[dreg:$0x1] =	wrdreg $0xFFFFFFFF  }
0xaf: {  	[dreg:$0x0] =	wrdreg $0x60  }
0xb0: {  	[dreg:$0x2] =	wrdreg s18  }
0xb1: {  	[dreg:$0x3] =	wrdreg s4  }
0xb2: {  	[dreg:$0x4] =	wrdreg s2  }
0xb3: {  	[dreg:$0x5] =	wrdreg s24  }
0xb4: {  	[dreg:$0x6] =	wrdreg $0x9  }
0xb5: {  	_ =	task.clear_ibuf [dreg:s9], $0x7FFFF;
	_ =	strace $0x90000046  }
0xb6: {  	s29 =	simm.s32 $0x9;
	_ =	strace $0x80000048  }
0xb7: {  	_ =	swait.ge [sflag:s29], $0x1  }
0xb8: {  	[sflag:s29] =	ssyncadd.s32 $0xFFFFFFFF  }
0xb9: {  	_ =	strace $0x90000048  }
0xba: {  	_ =	sfence  }
0xbb: {  	s30 =	sld [smem:$0x0];
	_ =	sdelay $0x2  }
0xbc: {  	s31 =	sshll.u32 s1, $0xD;
	s1 =	sshrl.u32 s1, $0x2  }
0xbd: {  	s3 =	sand.u32 $0x4000, s31;
	s1 =	sadd.s32 s1, s30  }
0xbe: {  	s0 =	sor.u32 s3, s0;
	s1 =	sshll.u32 s1, $0x11  }
0xbf: {  	s0 =	sor.u32 s1, s0  }
0xc0: {  	s0 =	sadd.s32 $0x8F2B, s0  }
0xc1: {  	[sflag:s0] =	ssyncadd.remote.s32 $0x1  }
0xc2: {  	_ =	sfence.sel $0xFFFF  }
0xc3: {  	[dreg:$0x0] =	wrdreg $0xFFFFFFFF;
	(pc) =	sbr.abs _section_cstart, $3  }
0xc4: {  	[dreg:$0x1] =	wrdreg $0xFFFFFFFF  }
0xc5: {  	_ =	task.clear_ibuf [dreg:s9], $0x2FFFF;
	_ =	strace $0x9FFFFFFF  }
0xc6: {  	(tm) =	ssettm $0x7FFFFFFF  }
0xc7: {  	_ =	shalt  }
tec
execute0_lowered:
.L_overlay_start_1:
0x0: {  	(tag) =	ssettag $0x1  }
0x1: {  	s1 =	rddreg [dreg:$0x0]  }
0x2: {  	s2 =	rddreg [dreg:$0x1]  }
0x3: {  	s5 =	rddreg [dreg:$0x2]  }
0x4: {  	s6 =	rddreg [dreg:$0x3];
	s4 =	srdreg.scid  }
0x5: {  	s0 =	rddreg [dreg:$0x4];
	s3 =	stileid.u32;
	s11 =	simm.s32 $0x880  }
0x6: {  	s12 =	simm.s32 $0x1080;
	s13 =	simm.s32 $0x1880;
	s14 =	simm.s32 $0x2080  }
0x7: {  	s15 =	simm.s32 $0x2880;
	s16 =	simm.s32 $0x3080;
	s17 =	simm.s32 $0x3880  }
0x8: {  	s18 =	simm.s32 $0x1;
	s19 =	simm.s32 $0x2;
	s7 =	sand.u32 $0x1, s4  }
0x9: {  	s4 =	simm.s32 $0x0;
	s8 =	sshll.u32 s3, $0x6;
	s9 =	sshll.u32 s7, $0x5  }
0xa: {  	[smem:$0x7FF] =	sst s4;
	s7 =	ssub.s32 $0x2, s7;
	s8 =	sor.u32 s9, s8  }
0xb: {  	_ =	strace $0x80000047;
	s10 =	sshrl.u32 s7, $0x1;
	s9 =	sshll.u32 s8, $0x5  }
0xc: {  	v2 =	vlaneseq.u32;
	s10 =	ssub.s32 s7, s10;
	s31 =	sshrl.u32 s8, $0x3;
	s9 =	sadd.s32 s9, s6  }
0xd: {  	vm0 =	vmmov $0xffff;
	v1 =	vshrl.u32 v2, $0x3;
	s5 =	sadd.s32 s5, s31;
	s8 =	smax.u32 s10, $0x1;
	s10 =	simm.s32 $0x80  }
0xe: {  	v0 =	vand.u32 $0x7, v2;
	v2 =	vor.u32 $0x8, v2;
	v1 =	vmul.u32 $0x4, v1;
	s6 =	sadd.s32 $0x800, s9;
	s7 =	sadd.s32 $0x8800, s9;
	s9 =	simm.s32 $0x3  }
.LBB2_1:
0xf: {  	[tilespmem:s4], [sflag:$0x3] =	stream.linear.gather [hbm4b:s5+s4], $0x20, $0x38;
	[tilespmem:$0x4080] =	vst v63  }
0x10: {  	_ =	swait.ge [sflag:s9], $0x20  }
0x11: {  	[sflag:s9] =	ssyncset.done $0x0  }
0x12: {  	[sflag:s9] =	ssyncadd.s32 $0xFFFFFFE0  }
0x13: {  	v3 =	vld [tilespmem:$0x0];
	_ =	sdelay $0x4  }
0x14: {  	v4 =	vshll.u32 v3, $0x1  }
0x15: {  	v3 =	vand.u32 $0x3, v3;
	v4 =	vand.u32 $0xFFFFFFF8, v4  }
0x16: {  	v3 =	vor.u32 v3, v4  }
0x17: {  	v4 =	vperm.xlane v3, v0;
	_ =	sdelay $0x1  }
0x18: {  	v3 =	vperm.xlane v3, v2;
	v4 =	vadd.s32 v1, v4;
	_ =	sdelay $0x1  }
0x19: {  	v3 =	vadd.s32 v1, v3;
	_ =	sdelay $0x2  }
0x1a: {  	[tilespmem:s10], [sflag:$0x1] =	stream.indirect_vreg.gather [hbm4b:s1+s4], $0x80, v4, vm0, $0xb8;
	[tilespmem:$0x4080] =	vst v63  }
0x1b: {  	_ = 	snop  }
0x1c: {  	[tilespmem:s11], [sflag:$0x1] =	stream.indirect_vreg.gather [hbm4b:s1+s4], $0x80, v3, vm0, $0xb8;
	[tilespmem:$0x4080] =	vst v63  }
0x1d: {  	v3 =	vld [tilespmem:$0x10];
	_ =	sdelay $0x4  }
0x1e: {  	v61 =	vshll.u32 v3, $0x1  }
0x1f: {  	v3 =	vand.u32 $0x3, v3;
	v4 =	vand.u32 $0xFFFFFFF8, v61  }
0x20: {  	v3 =	vor.u32 v3, v4  }
0x21: {  	v4 =	vperm.xlane v3, v0;
	_ =	sdelay $0x1  }
0x22: {  	v3 =	vperm.xlane v3, v2;
	v4 =	vadd.s32 v1, v4;
	_ =	sdelay $0x1  }
0x23: {  	v3 =	vadd.s32 v1, v3;
	_ =	sdelay $0x2  }
0x24: {  	[tilespmem:s12], [sflag:$0x1] =	stream.indirect_vreg.gather [hbm4b:s1+s4], $0x80, v4, vm0, $0xb8;
	[tilespmem:$0x4080] =	vst v63  }
0x25: {  	_ = 	snop  }
0x26: {  	[tilespmem:s13], [sflag:$0x1] =	stream.indirect_vreg.gather [hbm4b:s1+s4], $0x80, v3, vm0, $0xb8;
	[tilespmem:$0x4080] =	vst v63  }
0x27: {  	v3 =	vld [tilespmem:$0x0];
	_ =	sdelay $0x4  }
0x28: {  	v62 =	vshll.u32 v3, $0x1  }
0x29: {  	v3 =	vand.u32 $0x3, v3;
	v4 =	vand.u32 $0xFFFFFFF8, v62  }
0x2a: {  	v3 =	vor.u32 v3, v4  }
0x2b: {  	v4 =	vperm.xlane v3, v0;
	_ =	sdelay $0x1  }
0x2c: {  	v3 =	vperm.xlane v3, v2;
	v4 =	vadd.s32 v1, v4;
	_ =	sdelay $0x1  }
0x2d: {  	v3 =	vadd.s32 v1, v3;
	_ =	sdelay $0x2  }
0x2e: {  	[tilespmem:s14], [sflag:$0x2] =	stream.indirect_vreg.gather [hbm4b:s2+s4], $0x80, v4, vm0, $0xb8;
	[tilespmem:$0x4080] =	vst v63  }
0x2f: {  	_ = 	snop  }
0x30: {  	[tilespmem:s15], [sflag:$0x2] =	stream.indirect_vreg.gather [hbm4b:s2+s4], $0x80, v3, vm0, $0xb8;
	[tilespmem:$0x4080] =	vst v63  }
0x31: {  	v3 =	vld [tilespmem:$0x10];
	_ =	sdelay $0x4  }
0x32: {  	v63 =	vshll.u32 v3, $0x1  }
0x33: {  	v3 =	vand.u32 $0x3, v3;
	v4 =	vand.u32 $0xFFFFFFF8, v63  }
0x34: {  	v3 =	vor.u32 v3, v4  }
0x35: {  	v4 =	vperm.xlane v3, v0;
	_ =	sdelay $0x1  }
0x36: {  	v3 =	vperm.xlane v3, v2;
	v4 =	vadd.s32 v1, v4;
	_ =	sdelay $0x1  }
0x37: {  	v3 =	vadd.s32 v1, v3;
	_ =	sdelay $0x2  }
0x38: {  	[tilespmem:s16], [sflag:$0x2] =	stream.indirect_vreg.gather [hbm4b:s2+s4], $0x80, v4, vm0, $0xb8;
	[tilespmem:$0x4080] =	vst v63  }
0x39: {  	_ = 	snop  }
0x3a: {  	[tilespmem:s17], [sflag:$0x2] =	stream.indirect_vreg.gather [hbm4b:s2+s4], $0x80, v3, vm0, $0xb8;
	[tilespmem:$0x4080] =	vst v63  }
0x3b: {  	_ =	swait.ge [sflag:s18], $0x2000  }
0x3c: {  	[sflag:s18] =	ssyncset.done $0x0  }
0x3d: {  	[sflag:s18] =	ssyncadd.s32 $0xFFFFE000  }
0x3e: {  	_ =	swait.ge [sflag:s19], $0x2000  }
0x3f: {  	[sflag:s19] =	ssyncset.done $0x0  }
0x40: {  	[sflag:s19] =	ssyncadd.s32 $0xFFFFE000  }
0x41: {  	[hbm4b:s6+s4] =	stream.linear.scatter [tilespmem:s10], [sflag:$0x3], $0x2000, $0x38;
	[tilespmem:$0x4080] =	vst v63  }
0x42: {  	_ =	swait.ge [sflag:s9], $0x2000  }
0x43: {  	p0 =	sne.s32 s8, $0x1;
	[sflag:s9] =	ssyncset.done $0x0  }
.Ltmp0:
0x44: {  	[sflag:s9] =	ssyncadd.s32 $0xFFFFE000;
	(pc) =	sbr.rel @p0 .LBB2_1-.Ltmp0, $4  }
0x45: {  	[hbm4b:s7+s4] =	stream.linear.scatter [tilespmem:s14], [sflag:$0x3], $0x2000, $0x38;
	[tilespmem:$0x4080] =	vst v63  }
0x46: {  	_ =	swait.ge [sflag:s9], $0x2000  }
0x47: {  	[sflag:s9] =	ssyncset.done $0x0  }
0x48: {  	s8 =	sadd.s32 $0xFFFFFFFF, s8;
	[sflag:s9] =	ssyncadd.s32 $0xFFFFE000  }
0x49: {  	_ =	sfence.sel $0x180000  }
0x4a: {  	[bflag:$0x0] =	sbarrier.arrive $0xFFFF  }
0x4b: {  	p0 =	sne.s32 s3, $0x0;
	_ =	strace $0x90000047  }
0x4c: {  	s0 =	sadd.s32 @!p0 $0x100000, s0;
	[bflag:$0x2] =	sbarrier.arrive $0xFFFF  }
0x4d: {  	[sflag:s0] =	ssyncadd.tile.s32 @!p0 $0x1;
	_ =	shalt  }
.Lfunc_end2:
_tile_overlayer_lowered:
.L_overlay_start_2:
0x4e: {  	(tag) =	ssettag $0x2  }
0x4f: {  	s0 =	rddreg [dreg:$0x0];
	s2 =	stileid.u32  }
0x50: {  	s1 =	rddreg [dreg:$0x1];
	p0 =	sne.s32 s2, $0x0  }
0x51: {  	s3 =	rddreg [dreg:$0x2];
	[bflag:$0x3] =	sbarrier.arrive $0xFFFF;
	s2 =	simm.s32 @!p0 $0x1C03  }
0x52: {  	[timem:s3], [sflag:s2] =	dma.local @!p0 [hbm:s0], s1  }
0x53: {  	s0 =	simm.s32 @!p0 $0x3  }
0x54: {  	_ =	swait.ge @!p0 [sflag:s0], s1  }
0x55: {  	s1 =	ssub.s32 @!p0 $0x0, s1;
	[sflag:s0] =	ssyncset.done @!p0 $0x0  }
0x56: {  	[sflag:s0] =	ssyncadd.s32 @!p0 s1  }
0x57: {  	[bflag:$0x3] =	sbarrier.arrive $0xFFFF  }
0x58: {  	_ =	shalt  }

</sc_bundles>
